<compile_context>
chip_gen: v7x
topology: tpu7x:2x2x1
jax: 0.10.2.dev20260603
libtpu: 0.0.44.dev20260713+nightly
codegen_flags: <defaults>
</compile_context>

<pallas_src>
import functools

import jax
import jax.numpy as jnp
from jax import lax
from jax.experimental import pallas as pl
from jax.experimental.pallas import tpu as pltpu
from jax.experimental.pallas import tpu_sc as plsc

Q = 4096
D = 512
K = 100000
BK = 1024
NBLK = 98
NC = NBLK * 3

NEG = float("-inf")
BIGF = float(1 << 24)


def _score_topk_body(q_ref, k_ref, colf_ref, vals_ref, idx_ref):
    j = pl.program_id(0)
    q = q_ref[...]
    kb = k_ref[...]
    col = colf_ref[0:1, :]
    s = lax.dot_general(q, kb, (((1,), (1,)), ((), ())),
                        preferred_element_type=jnp.float32)
    s = jnp.where(col < (K - j * BK).astype(jnp.float32), s, NEG)
    vs, ids = [], []
    for t in range(3):
        m = jnp.max(s, axis=1, keepdims=True)
        eq = s == m
        am = jnp.min(jnp.where(eq, col, BIGF), axis=1, keepdims=True)
        vs.append(m)
        ids.append(am + (j * BK).astype(jnp.float32))
        if t < 2:
            s = jnp.where(col == am, NEG, s)
    vals_ref[0, :, :] = jnp.concatenate(vs, axis=1)
    idx_ref[0, :, :] = jnp.concatenate(ids, axis=1)


def _merge_body(cv_ref, ci_ref, vals_ref, idx_ref):
    s = cv_ref[...]
    ids = ci_ref[...]
    vs, iss = [], []
    for t in range(3):
        m = jnp.max(s, axis=1, keepdims=True)
        eq = s == m
        am = jnp.min(jnp.where(eq, ids, BIGF), axis=1, keepdims=True)
        vs.append(m)
        iss.append(am)
        if t < 2:
            s = jnp.where(eq & (ids == am), NEG, s)
    vals_ref[...] = jnp.concatenate(vs, axis=1)
    idx_ref[...] = jnp.concatenate(iss, axis=1).astype(jnp.int32)


_score_topk = pl.pallas_call(
    _score_topk_body,
    grid=(NBLK,),
    in_specs=[
        pl.BlockSpec((Q, D), lambda j: (0, 0)),
        pl.BlockSpec((BK, D), lambda j: (j, 0)),
        pl.BlockSpec((8, BK), lambda j: (0, 0)),
    ],
    out_specs=[
        pl.BlockSpec((1, Q, 3), lambda j: (j, 0, 0)),
        pl.BlockSpec((1, Q, 3), lambda j: (j, 0, 0)),
    ],
    out_shape=[
        jax.ShapeDtypeStruct((NBLK, Q, 3), jnp.float32),
        jax.ShapeDtypeStruct((NBLK, Q, 3), jnp.float32),
    ],
)

QM = 512
_merge = pl.pallas_call(
    _merge_body,
    grid=(Q // QM,),
    in_specs=[
        pl.BlockSpec((QM, NC), lambda i: (i, 0)),
        pl.BlockSpec((QM, NC), lambda i: (i, 0)),
    ],
    out_specs=[
        pl.BlockSpec((QM, 3), lambda i: (i, 0)),
        pl.BlockSpec((QM, 3), lambda i: (i, 0)),
    ],
    out_shape=[
        jax.ShapeDtypeStruct((Q, 3), jnp.float32),
        jax.ShapeDtypeStruct((Q, 3), jnp.int32),
    ],
)

NW = 32
QPW = Q // NW
CH = 32
NL = 16


def _sc_dist_body(keys_hbm, q_hbm, idx_hbm, out_hbm, idx_v, rows_v, q_v, d_v, sem):
    wid = lax.axis_index("s") * 2 + lax.axis_index("c")
    qbase = wid * QPW

    def chunk_body(c, carry):
        qoff = qbase + c * CH
        pltpu.sync_copy(idx_hbm.at[pl.ds(qoff * 3, CH * 3)], idx_v)
        pltpu.async_copy(keys_hbm.at[idx_v], rows_v, sem).wait()
        pltpu.sync_copy(q_hbm.at[pl.ds(qoff, CH)], q_v)

        def q_body(i, carry2):
            def dim_body(t, acc):
                r0 = rows_v[3 * i, pl.ds(t * NL, NL)]
                r1 = rows_v[3 * i + 1, pl.ds(t * NL, NL)]
                r2 = rows_v[3 * i + 2, pl.ds(t * NL, NL)]
                qv = q_v[i, pl.ds(t * NL, NL)]
                mv = (r0 + r1 + r2) / 3.0
                dv = qv - mv
                return acc + dv * dv

            acc = lax.fori_loop(0, D // NL, dim_body,
                                jnp.zeros((NL,), jnp.float32))
            d_v[c * CH + i] = jnp.full((NL,), jnp.sum(acc), jnp.float32)
            return carry2

        lax.fori_loop(0, CH, q_body, 0)
        return carry

    lax.fori_loop(0, QPW // CH, chunk_body, 0)
    pltpu.sync_copy(d_v, out_hbm.at[pl.ds(qbase, QPW)])


@functools.cache
def _get_sc_dist():
    return functools.partial(
        pl.kernel,
        mesh=plsc.VectorSubcoreMesh(core_axis_name="c", subcore_axis_name="s"),
        out_type=jax.ShapeDtypeStruct((Q, NL), jnp.float32),
        compiler_params=pltpu.CompilerParams(needs_layout_passes=False),
        scratch_types=[
            pltpu.VMEM((CH * 3,), jnp.int32),
            pltpu.VMEM((CH * 3, D), jnp.float32),
            pltpu.VMEM((CH, D), jnp.float32),
            pltpu.VMEM((QPW, NL), jnp.float32),
            pltpu.SemaphoreType.DMA,
        ],
    )(_sc_dist_body)


def kernel(queries, keys, k):
    k_residual = jnp.asarray(k, dtype=jnp.int32) - 3
    colf = jnp.broadcast_to(jnp.arange(BK, dtype=jnp.float32), (8, BK))
    cv, ci = _score_topk(queries, keys, colf)
    cv2 = cv.transpose(1, 0, 2).reshape(Q, NC)
    ci2 = ci.transpose(1, 0, 2).reshape(Q, NC)
    vals, idx = _merge(cv2, ci2)
    vals = vals + k_residual.astype(vals.dtype)
    idx = idx + k_residual
    d16 = _get_sc_dist()(keys, queries, idx.reshape(-1))
    dists = d16[:, 0]
    return vals, idx, dists

# --- scband reference (transcript-rebuilt; emitter-appended) ---
"""Pipeline reference for scband-meta-model-16982300688704 (READ-ONLY COPY).

The authoritative reference and input builder live on the scoring server;
editing this copy changes nothing except your own understanding.
"""

import jax, jax.numpy as jnp
import numpy as np


def setup_inputs(seed: int = 0) -> dict:
    key = jax.random.key(seed)
    k1, k2 = jax.random.split(key)
    queries = jax.random.normal(k1, (4096, 512), dtype=jnp.float32)
    keys = jax.random.normal(k2, (100000, 512), dtype=jnp.float32)
    return {"queries": queries, "keys": keys, "k": 3}


def reference(queries, keys, k):
    # Core retrieval kernel from Meta_model.proto_loss_spt:
    #   score_matrix = logits @ motif_vectors.T ; selected_motif = topk(score_matrix, k)
    # followed by gathering the retrieved motif vectors, averaging them into a
    # motif prototype, and computing squared euclidean distance (euclidean_dist)
    # between each query embedding and its motif prototype.
    k_static = 3
    k_residual = jnp.asarray(k, dtype=jnp.int32) - k_static
    scores = jnp.matmul(queries, keys.T)                 # [Q, K]
    vals, idx = jax.lax.top_k(scores, k_static)          # [Q, k], [Q, k]
    vals = vals + k_residual.astype(vals.dtype)
    idx = idx + k_residual.astype(idx.dtype)
    selected = jnp.take(keys, idx, axis=0)               # [Q, k, d] gather of retrieved motifs
    motif_proto = selected.mean(axis=1)                  # [Q, d] motif prototype per query
    dists = jnp.sum((queries - motif_proto) ** 2, axis=1)  # [Q] squared euclidean distance
    return vals, idx, dists

if __name__ == "__main__":
    import jax
    _d = setup_inputs()
    print(jax.jit(kernel)(*tuple(_d.values())))

</pallas_src>

<mosaic_0001>
#map = affine_map<(d0, d1) -> (0, 0)>
#map1 = affine_map<(d0, d1) -> (0)>
module attributes {stable_mosaic.version = 14 : i64} {
  func.func @_sc_dist_body(%arg0: i32, %arg1: i32, %arg2: memref<100000x512xf32, #tpu.memory_space<hbm>>, %arg3: memref<4096x512xf32, #tpu.memory_space<hbm>>, %arg4: memref<12288xi32, #tpu.memory_space<hbm>>, %arg5: memref<4096x16xf32, #tpu.memory_space<hbm>>, %arg6: memref<96xi32, #tpu.memory_space<vmem>>, %arg7: memref<96x512xf32, #tpu.memory_space<vmem>>, %arg8: memref<32x512xf32, #tpu.memory_space<vmem>>, %arg9: memref<128x16xf32, #tpu.memory_space<vmem>>, %arg10: memref<!tpu.dma_semaphore, #tpu.memory_space<semaphore_mem>>) attributes {dimension_semantics = [#tpu.dimension_semantics<core_parallel>, #tpu.dimension_semantics<subcore_parallel>], iteration_bounds = array<i64: 2, 16>, scalar_prefetch = 0 : i64, scratch_operands = 5 : i64, tpu.core_type = #tpu.core_type<sc_vector_subcore>, window_params = [{transform_indices = #map}, {transform_indices = #map}, {transform_indices = #map1}, {transform_indices = #map}]} {
    %mul3A = arith.constant 2 : i32
    %mul3A_0 = arith.muli %arg1, %mul3A : i32
    %add3A = arith.addi %mul3A_0, %arg0 : i32
    %mul3A_1 = arith.constant 128 : i32
    %mul3A_2 = arith.muli %add3A, %mul3A_1 : i32
    %scan3A = arith.constant 0 : i32
    %scan3A_3 = arith.constant 0 : i32
    %scan3A_4 = arith.constant 4 : i32
    %scan3A_5 = arith.addi %scan3A_3, %scan3A_4 : i32
    %scan3A_6 = arith.constant 1 : i32
    scf.for %scan3A_8 = %scan3A_3 to %scan3A_5 step %scan3A_6  : i32 {
      %mul3A_9 = arith.constant 32 : i32
      %mul3A_10 = arith.muli %scan3A_8, %mul3A_9 : i32
      %add3A_11 = arith.addi %mul3A_2, %mul3A_10 : i32
      %mul3A_12 = arith.constant 3 : i32
      %mul3A_13 = arith.muli %add3A_11, %mul3A_12 : i32
      "tpu.region"() ({
        %run_scoped3A = tpu.sem_alloc : memref<!tpu.dma_semaphore, #tpu.memory_space<semaphore_mem>>
        %dma_start3A_24 = tpu.memref_slice %arg4[%mul3A_13] : memref<12288xi32, #tpu.memory_space<hbm>> -> memref<96xi32, #tpu.memory_space<hbm>>
        %dma_start3A_25 = tpu.memref_slice %arg4[%mul3A_13] : memref<12288xi32, #tpu.memory_space<hbm>> -> memref<96xi32, #tpu.memory_space<hbm>>
        tpu.enqueue_dma source(%dma_start3A_25 : memref<96xi32, #tpu.memory_space<hbm>>) target(%arg6 : memref<96xi32, #tpu.memory_space<vmem>>) target_semaphore(%run_scoped3A : memref<!tpu.dma_semaphore, #tpu.memory_space<semaphore_mem>>)
        %dma_wait3A_26 = tpu.memref_slice %arg4[%mul3A_13] : memref<12288xi32, #tpu.memory_space<hbm>> -> memref<96xi32, #tpu.memory_space<hbm>>
        %dma_wait3A_27 = tpu.memref_slice %arg4[%mul3A_13] : memref<12288xi32, #tpu.memory_space<hbm>> -> memref<96xi32, #tpu.memory_space<hbm>>
        tpu.wait_dma2 semaphore(%run_scoped3A : memref<!tpu.dma_semaphore, #tpu.memory_space<semaphore_mem>>) src(%dma_wait3A_27 : memref<96xi32, #tpu.memory_space<hbm>>) dst(%arg6 : memref<96xi32, #tpu.memory_space<vmem>>)
        tpu.yield
      }) : () -> ()
      %dma_start3A = arith.constant 0 : i32
      %dma_start3A_14 = arith.constant 0 : i32
      %dma_start3A_15 = tpu.memref_slice %arg2[%dma_start3A, %dma_start3A_14] : memref<100000x512xf32, #tpu.memory_space<hbm>> -> memref<100000x512xf32, #tpu.memory_space<hbm>>
      tpu.enqueue_indirect_dma source(%dma_start3A_15 : memref<100000x512xf32, #tpu.memory_space<hbm>>) target(%arg7 : memref<96x512xf32, #tpu.memory_space<vmem>>) offsets(%arg6 : memref<96xi32, #tpu.memory_space<vmem>>) semaphore(%arg10 : memref<!tpu.dma_semaphore, #tpu.memory_space<semaphore_mem>>)
      %dma_wait3A = arith.constant 0 : i32
      %dma_wait3A_16 = arith.constant 0 : i32
      %dma_wait3A_17 = tpu.memref_slice %arg2[%dma_wait3A, %dma_wait3A_16] : memref<100000x512xf32, #tpu.memory_space<hbm>> -> memref<100000x512xf32, #tpu.memory_space<hbm>>
      tpu.wait_indirect_dma semaphore(%arg10 : memref<!tpu.dma_semaphore, #tpu.memory_space<semaphore_mem>>) src(%dma_wait3A_17 : memref<100000x512xf32, #tpu.memory_space<hbm>>) dst(%arg7 : memref<96x512xf32, #tpu.memory_space<vmem>>)
      "tpu.region"() ({
        %run_scoped3A = tpu.sem_alloc : memref<!tpu.dma_semaphore, #tpu.memory_space<semaphore_mem>>
        %dma_start3A_24 = arith.constant 0 : i32
        %dma_start3A_25 = tpu.memref_slice %arg3[%add3A_11, %dma_start3A_24] : memref<4096x512xf32, #tpu.memory_space<hbm>> -> memref<32x512xf32, #tpu.memory_space<hbm>>
        %dma_start3A_26 = arith.constant 0 : i32
        %dma_start3A_27 = tpu.memref_slice %arg3[%add3A_11, %dma_start3A_26] : memref<4096x512xf32, #tpu.memory_space<hbm>> -> memref<32x512xf32, #tpu.memory_space<hbm>>
        tpu.enqueue_dma source(%dma_start3A_27 : memref<32x512xf32, #tpu.memory_space<hbm>>) target(%arg8 : memref<32x512xf32, #tpu.memory_space<vmem>>) target_semaphore(%run_scoped3A : memref<!tpu.dma_semaphore, #tpu.memory_space<semaphore_mem>>)
        %dma_wait3A_28 = arith.constant 0 : i32
        %dma_wait3A_29 = tpu.memref_slice %arg3[%add3A_11, %dma_wait3A_28] : memref<4096x512xf32, #tpu.memory_space<hbm>> -> memref<32x512xf32, #tpu.memory_space<hbm>>
        %dma_wait3A_30 = arith.constant 0 : i32
        %dma_wait3A_31 = tpu.memref_slice %arg3[%add3A_11, %dma_wait3A_30] : memref<4096x512xf32, #tpu.memory_space<hbm>> -> memref<32x512xf32, #tpu.memory_space<hbm>>
        tpu.wait_dma2 semaphore(%run_scoped3A : memref<!tpu.dma_semaphore, #tpu.memory_space<semaphore_mem>>) src(%dma_wait3A_31 : memref<32x512xf32, #tpu.memory_space<hbm>>) dst(%arg8 : memref<32x512xf32, #tpu.memory_space<vmem>>)
        tpu.yield
      }) : () -> ()
      %scan3A_18 = arith.constant 0 : i32
      %scan3A_19 = arith.constant 0 : i32
      %scan3A_20 = arith.constant 32 : i32
      %scan3A_21 = arith.addi %scan3A_19, %scan3A_20 : i32
      %scan3A_22 = arith.constant 1 : i32
      scf.for %scan3A_24 = %scan3A_19 to %scan3A_21 step %scan3A_22  : i32 {
        %broadcast_in_dim3A = arith.constant 0.000000e+00 : f32
        %broadcast_in_dim3A_25 = vector.broadcast %broadcast_in_dim3A : f32 to vector<16xf32>
        %scan3A_26 = arith.constant 0 : i32
        %scan3A_27 = arith.constant 32 : i32
        %scan3A_28 = arith.addi %scan3A_26, %scan3A_27 : i32
        %scan3A_29 = arith.constant 1 : i32
        %scan3A_30 = scf.for %scan3A_41 = %scan3A_26 to %scan3A_28 step %scan3A_29 iter_args(%scan3A_42 = %broadcast_in_dim3A_25) -> (vector<16xf32>)  : i32 {
          %mul3A_43 = arith.constant 3 : i32
          %mul3A_44 = arith.muli %mul3A_43, %scan3A_24 : i32
          %mul3A_45 = arith.constant 16 : i32
          %mul3A_46 = arith.muli %scan3A_41, %mul3A_45 : i32
          %get3A = arith.index_cast %mul3A_44 : i32 to index
          %get3A_47 = arith.index_cast %mul3A_46 : i32 to index
          %get3A_48 = tpu.vector_load %arg7[%get3A, %get3A_47] {strides = array<i32>} : memref<96x512xf32, #tpu.memory_space<vmem>>, vector<16xf32>,
          %mul3A_49 = arith.constant 3 : i32
          %mul3A_50 = arith.muli %mul3A_49, %scan3A_24 : i32
          %add3A_51 = arith.constant 1 : i32
          %add3A_52 = arith.addi %mul3A_50, %add3A_51 : i32
          %mul3A_53 = arith.constant 16 : i32
          %mul3A_54 = arith.muli %scan3A_41, %mul3A_53 : i32
          %get3A_55 = arith.index_cast %add3A_52 : i32 to index
          %get3A_56 = arith.index_cast %mul3A_54 : i32 to index
          %get3A_57 = tpu.vector_load %arg7[%get3A_55, %get3A_56] {strides = array<i32>} : memref<96x512xf32, #tpu.memory_space<vmem>>, vector<16xf32>,
          %mul3A_58 = arith.constant 3 : i32
          %mul3A_59 = arith.muli %mul3A_58, %scan3A_24 : i32
          %add3A_60 = arith.constant 2 : i32
          %add3A_61 = arith.addi %mul3A_59, %add3A_60 : i32
          %mul3A_62 = arith.constant 16 : i32
          %mul3A_63 = arith.muli %scan3A_41, %mul3A_62 : i32
          %get3A_64 = arith.index_cast %add3A_61 : i32 to index
          %get3A_65 = arith.index_cast %mul3A_63 : i32 to index
          %get3A_66 = tpu.vector_load %arg7[%get3A_64, %get3A_65] {strides = array<i32>} : memref<96x512xf32, #tpu.memory_space<vmem>>, vector<16xf32>,
          %mul3A_67 = arith.constant 16 : i32
          %mul3A_68 = arith.muli %scan3A_41, %mul3A_67 : i32
          %get3A_69 = arith.index_cast %scan3A_24 : i32 to index
          %get3A_70 = arith.index_cast %mul3A_68 : i32 to index
          %get3A_71 = tpu.vector_load %arg8[%get3A_69, %get3A_70] {strides = array<i32>} : memref<32x512xf32, #tpu.memory_space<vmem>>, vector<16xf32>,
          %add3A_72 = arith.addf %get3A_48, %get3A_57 : vector<16xf32>
          %add3A_73 = arith.addf %add3A_72, %get3A_66 : vector<16xf32>
          %div3A = arith.constant 3.000000e+00 : f32
          %div3A_74 = vector.broadcast %div3A : f32 to vector<16xf32>
          %div3A_75 = arith.divf %add3A_73, %div3A_74 : vector<16xf32>
          %sub3A = arith.subf %get3A_71, %div3A_75 : vector<16xf32>
          %mul3A_76 = arith.mulf %sub3A, %sub3A : vector<16xf32>
          %add3A_77 = arith.addf %scan3A_42, %mul3A_76 : vector<16xf32>
          scf.yield %add3A_77 : vector<16xf32>
        }
        %scan3A_31 = arith.constant 32 : i32
        %reduce_sum3A = arith.constant true
        %reduce_sum3A_32 = vector.broadcast %reduce_sum3A : i1 to vector<16xi1>
        %reduce_sum3A_33 = tpu.scan <sum>, %scan3A_30 masked %reduce_sum3A_32 : vector<16xf32>, vector<16xi1> -> vector<16xf32>
        %reduce_sum3A_34 = vector.extract %reduce_sum3A_33[15] : f32 from vector<16xf32>
        %broadcast_in_dim3A_35 = vector.broadcast %reduce_sum3A_34 : f32 to vector<16xf32>
        %mul3A_36 = arith.constant 32 : i32
        %mul3A_37 = arith.muli %scan3A_8, %mul3A_36 : i32
        %add3A_38 = arith.addi %mul3A_37, %scan3A_24 : i32
        %swap3A = arith.index_cast %add3A_38 : i32 to index
        %swap3A_39 = arith.constant 0 : index
        %swap3A_40 = tpu.vector_load %arg9[%swap3A, %swap3A_39] {strides = array<i32>} : memref<128x16xf32, #tpu.memory_space<vmem>>, vector<16xf32>,
        tpu.vector_store %arg9[%swap3A, %swap3A_39], %broadcast_in_dim3A_35 {strides = array<i32>} : memref<128x16xf32, #tpu.memory_space<vmem>>, vector<16xf32>,
      }
      %scan3A_23 = arith.constant 32 : i32
    }
    %scan3A_7 = arith.constant 4 : i32
    "tpu.region"() ({
      %run_scoped3A = tpu.sem_alloc : memref<!tpu.dma_semaphore, #tpu.memory_space<semaphore_mem>>
      %dma_start3A = arith.constant 0 : i32
      %dma_start3A_8 = tpu.memref_slice %arg5[%mul3A_2, %dma_start3A] : memref<4096x16xf32, #tpu.memory_space<hbm>> -> memref<128x16xf32, #tpu.memory_space<hbm>>
      %dma_start3A_9 = arith.constant 0 : i32
      %dma_start3A_10 = tpu.memref_slice %arg5[%mul3A_2, %dma_start3A_9] : memref<4096x16xf32, #tpu.memory_space<hbm>> -> memref<128x16xf32, #tpu.memory_space<hbm>>
      tpu.enqueue_dma source(%arg9 : memref<128x16xf32, #tpu.memory_space<vmem>>) target(%dma_start3A_10 : memref<128x16xf32, #tpu.memory_space<hbm>>) target_semaphore(%run_scoped3A : memref<!tpu.dma_semaphore, #tpu.memory_space<semaphore_mem>>)
      %dma_wait3A = arith.constant 0 : i32
      %dma_wait3A_11 = tpu.memref_slice %arg5[%mul3A_2, %dma_wait3A] : memref<4096x16xf32, #tpu.memory_space<hbm>> -> memref<128x16xf32, #tpu.memory_space<hbm>>
      %dma_wait3A_12 = arith.constant 0 : i32
      %dma_wait3A_13 = tpu.memref_slice %arg5[%mul3A_2, %dma_wait3A_12] : memref<4096x16xf32, #tpu.memory_space<hbm>> -> memref<128x16xf32, #tpu.memory_space<hbm>>
      tpu.wait_dma2 semaphore(%run_scoped3A : memref<!tpu.dma_semaphore, #tpu.memory_space<semaphore_mem>>) src(%arg9 : memref<128x16xf32, #tpu.memory_space<vmem>>) dst(%dma_wait3A_13 : memref<128x16xf32, #tpu.memory_space<hbm>>)
      tpu.yield
    }) : () -> ()
    return
  }
}

module attributes {stable_mosaic.version = 14 : i64} {
  func.func @_score_topk_body(%arg0: i32, %arg1: memref<4096x512xf32, #tpu.memory_space<vmem>>, %arg2: memref<1024x512xf32, #tpu.memory_space<vmem>>, %arg3: memref<8x1024xf32, #tpu.memory_space<vmem>>, %arg4: memref<1x4096x3xf32, #tpu.memory_space<vmem>>, %arg5: memref<1x4096x3xf32, #tpu.memory_space<vmem>>) attributes {dimension_semantics = [#tpu.dimension_semantics<arbitrary>], iteration_bounds = array<i64: 98>, scalar_prefetch = 0 : i64, scratch_operands = 0 : i64, tpu.core_type = #tpu.core_type<tc>, window_params = [{pipeline_mode = #tpu.pipeline_mode<synchronous>, transform_indices = @transform_0, window_bounds = array<i64: 4096, 512>}, {transform_indices = @transform_1, window_bounds = array<i64: 1024, 512>}, {pipeline_mode = #tpu.pipeline_mode<synchronous>, transform_indices = @transform_2, window_bounds = array<i64: 8, 1024>}, {transform_indices = @transform_3, window_bounds = array<i64: 1, 4096, 3>}, {transform_indices = @transform_4, window_bounds = array<i64: 1, 4096, 3>}]} {
    %get3A = arith.constant 0 : index
    %get3A_0 = arith.constant 0 : index
    %get3A_1 = vector.load %arg1[%get3A, %get3A_0] : memref<4096x512xf32, #tpu.memory_space<vmem>>, vector<4096x512xf32>
    %get3A_2 = arith.constant 0 : index
    %get3A_3 = arith.constant 0 : index
    %get3A_4 = vector.load %arg2[%get3A_2, %get3A_3] : memref<1024x512xf32, #tpu.memory_space<vmem>>, vector<1024x512xf32>
    %get3A_5 = arith.constant 0 : index
    %get3A_6 = arith.constant 0 : index
    %get3A_7 = vector.load %arg3[%get3A_5, %get3A_6] : memref<8x1024xf32, #tpu.memory_space<vmem>>, vector<1x1024xf32>
    %dot_general3A = arith.constant dense<0.000000e+00> : vector<4096x1024xf32>
    %dot_general3A_8 = tpu.matmul %get3A_1, %get3A_4, %dot_general3A {dimension_numbers = #tpu.dot_dimension_numbers<[1], [1], [0], [0], [0, 0, 1, 0], [], []>, transpose_lhs_hint = false} : vector<4096x512xf32>, vector<1024x512xf32>, vector<4096x1024xf32> -> vector<4096x1024xf32>
    %mul3A = arith.constant 1024 : i32
    %mul3A_9 = arith.muli %arg0, %mul3A : i32
    %sub3A = arith.constant 100000 : i32
    %sub3A_10 = arith.subi %sub3A, %mul3A_9 : i32
    %convert_element_type3A = arith.sitofp %sub3A_10 : i32 to f32
    %lt3A = vector.broadcast %convert_element_type3A : f32 to vector<1x1024xf32>
    %lt3A_11 = arith.cmpf olt, %get3A_7, %lt3A : vector<1x1024xf32>
    %jit3A = arith.constant 0xFF800000 : f32
    %broadcast_in_dim3A = vector.shape_cast %lt3A_11 : vector<1x1024xi1> to vector<1x1024xi1>
    %broadcast_in_dim3A_12 = vector.broadcast %broadcast_in_dim3A : vector<1x1024xi1> to vector<4096x1024xi1>
    %broadcast_in_dim3A_13 = vector.broadcast %jit3A : f32 to vector<4096x1024xf32>
    %select_n3A = arith.select %broadcast_in_dim3A_12, %dot_general3A_8, %broadcast_in_dim3A_13 : vector<4096x1024xi1>, vector<4096x1024xf32>
    %reduce_max3A = arith.constant dense<0xFF800000> : vector<4096xf32>
    %reduce_max3A_14 = vector.multi_reduction <maximumf>, %select_n3A, %reduce_max3A [1] : vector<4096x1024xf32> to vector<4096xf32>
    %broadcast_in_dim3A_15 = vector.shape_cast %reduce_max3A_14 : vector<4096xf32> to vector<4096x1xf32>
    %eq3A = vector.broadcast %broadcast_in_dim3A_15 : vector<4096x1xf32> to vector<4096x1024xf32>
    %eq3A_16 = arith.cmpf oeq, %select_n3A, %eq3A : vector<4096x1024xf32>
    %jit3A_17 = arith.constant 0x4B800000 : f32
    %broadcast_in_dim3A_18 = vector.shape_cast %get3A_7 : vector<1x1024xf32> to vector<1x1024xf32>
    %broadcast_in_dim3A_19 = vector.broadcast %broadcast_in_dim3A_18 : vector<1x1024xf32> to vector<4096x1024xf32>
    %broadcast_in_dim3A_20 = vector.broadcast %jit3A_17 : f32 to vector<4096x1024xf32>
    %select_n3A_21 = arith.select %eq3A_16, %broadcast_in_dim3A_19, %broadcast_in_dim3A_20 : vector<4096x1024xi1>, vector<4096x1024xf32>
    %reduce_min3A = arith.constant dense<0x7F800000> : vector<4096xf32>
    %reduce_min3A_22 = vector.multi_reduction <minimumf>, %select_n3A_21, %reduce_min3A [1] : vector<4096x1024xf32> to vector<4096xf32>
    %broadcast_in_dim3A_23 = vector.shape_cast %reduce_min3A_22 : vector<4096xf32> to vector<4096x1xf32>
    %mul3A_24 = arith.constant 1024 : i32
    %mul3A_25 = arith.muli %arg0, %mul3A_24 : i32
    %convert_element_type3A_26 = arith.sitofp %mul3A_25 : i32 to f32
    %add3A = vector.broadcast %convert_element_type3A_26 : f32 to vector<4096x1xf32>
    %add3A_27 = arith.addf %broadcast_in_dim3A_23, %add3A : vector<4096x1xf32>
    %eq3A_28 = vector.broadcast %get3A_7 : vector<1x1024xf32> to vector<4096x1024xf32>
    %eq3A_29 = vector.broadcast %broadcast_in_dim3A_23 : vector<4096x1xf32> to vector<4096x1024xf32>
    %eq3A_30 = arith.cmpf oeq, %eq3A_28, %eq3A_29 : vector<4096x1024xf32>
    %jit3A_31 = arith.constant 0xFF800000 : f32
    %broadcast_in_dim3A_32 = vector.broadcast %jit3A_31 : f32 to vector<4096x1024xf32>
    %select_n3A_33 = arith.select %eq3A_30, %broadcast_in_dim3A_32, %select_n3A : vector<4096x1024xi1>, vector<4096x1024xf32>
    %reduce_max3A_34 = arith.constant dense<0xFF800000> : vector<4096xf32>
    %reduce_max3A_35 = vector.multi_reduction <maximumf>, %select_n3A_33, %reduce_max3A_34 [1] : vector<4096x1024xf32> to vector<4096xf32>
    %broadcast_in_dim3A_36 = vector.shape_cast %reduce_max3A_35 : vector<4096xf32> to vector<4096x1xf32>
    %eq3A_37 = vector.broadcast %broadcast_in_dim3A_36 : vector<4096x1xf32> to vector<4096x1024xf32>
    %eq3A_38 = arith.cmpf oeq, %select_n3A_33, %eq3A_37 : vector<4096x1024xf32>
    %jit3A_39 = arith.constant 0x4B800000 : f32
    %broadcast_in_dim3A_40 = vector.shape_cast %get3A_7 : vector<1x1024xf32> to vector<1x1024xf32>
    %broadcast_in_dim3A_41 = vector.broadcast %broadcast_in_dim3A_40 : vector<1x1024xf32> to vector<4096x1024xf32>
    %broadcast_in_dim3A_42 = vector.broadcast %jit3A_39 : f32 to vector<4096x1024xf32>
    %select_n3A_43 = arith.select %eq3A_38, %broadcast_in_dim3A_41, %broadcast_in_dim3A_42 : vector<4096x1024xi1>, vector<4096x1024xf32>
    %reduce_min3A_44 = arith.constant dense<0x7F800000> : vector<4096xf32>
    %reduce_min3A_45 = vector.multi_reduction <minimumf>, %select_n3A_43, %reduce_min3A_44 [1] : vector<4096x1024xf32> to vector<4096xf32>
    %broadcast_in_dim3A_46 = vector.shape_cast %reduce_min3A_45 : vector<4096xf32> to vector<4096x1xf32>
    %mul3A_47 = arith.constant 1024 : i32
    %mul3A_48 = arith.muli %arg0, %mul3A_47 : i32
    %convert_element_type3A_49 = arith.sitofp %mul3A_48 : i32 to f32
    %add3A_50 = vector.broadcast %convert_element_type3A_49 : f32 to vector<4096x1xf32>
    %add3A_51 = arith.addf %broadcast_in_dim3A_46, %add3A_50 : vector<4096x1xf32>
    %eq3A_52 = vector.broadcast %get3A_7 : vector<1x1024xf32> to vector<4096x1024xf32>
    %eq3A_53 = vector.broadcast %broadcast_in_dim3A_46 : vector<4096x1xf32> to vector<4096x1024xf32>
    %eq3A_54 = arith.cmpf oeq, %eq3A_52, %eq3A_53 : vector<4096x1024xf32>
    %jit3A_55 = arith.constant 0xFF800000 : f32
    %broadcast_in_dim3A_56 = vector.broadcast %jit3A_55 : f32 to vector<4096x1024xf32>
    %select_n3A_57 = arith.select %eq3A_54, %broadcast_in_dim3A_56, %select_n3A_33 : vector<4096x1024xi1>, vector<4096x1024xf32>
    %reduce_max3A_58 = arith.constant dense<0xFF800000> : vector<4096xf32>
    %reduce_max3A_59 = vector.multi_reduction <maximumf>, %select_n3A_57, %reduce_max3A_58 [1] : vector<4096x1024xf32> to vector<4096xf32>
    %broadcast_in_dim3A_60 = vector.shape_cast %reduce_max3A_59 : vector<4096xf32> to vector<4096x1xf32>
    %eq3A_61 = vector.broadcast %broadcast_in_dim3A_60 : vector<4096x1xf32> to vector<4096x1024xf32>
    %eq3A_62 = arith.cmpf oeq, %select_n3A_57, %eq3A_61 : vector<4096x1024xf32>
    %jit3A_63 = arith.constant 0x4B800000 : f32
    %broadcast_in_dim3A_64 = vector.shape_cast %get3A_7 : vector<1x1024xf32> to vector<1x1024xf32>
    %broadcast_in_dim3A_65 = vector.broadcast %broadcast_in_dim3A_64 : vector<1x1024xf32> to vector<4096x1024xf32>
    %broadcast_in_dim3A_66 = vector.broadcast %jit3A_63 : f32 to vector<4096x1024xf32>
    %select_n3A_67 = arith.select %eq3A_62, %broadcast_in_dim3A_65, %broadcast_in_dim3A_66 : vector<4096x1024xi1>, vector<4096x1024xf32>
    %reduce_min3A_68 = arith.constant dense<0x7F800000> : vector<4096xf32>
    %reduce_min3A_69 = vector.multi_reduction <minimumf>, %select_n3A_67, %reduce_min3A_68 [1] : vector<4096x1024xf32> to vector<4096xf32>
    %broadcast_in_dim3A_70 = vector.shape_cast %reduce_min3A_69 : vector<4096xf32> to vector<4096x1xf32>
    %mul3A_71 = arith.constant 1024 : i32
    %mul3A_72 = arith.muli %arg0, %mul3A_71 : i32
    %convert_element_type3A_73 = arith.sitofp %mul3A_72 : i32 to f32
    %add3A_74 = vector.broadcast %convert_element_type3A_73 : f32 to vector<4096x1xf32>
    %add3A_75 = arith.addf %broadcast_in_dim3A_70, %add3A_74 : vector<4096x1xf32>
    %concatenate3A = tpu.concatenate %broadcast_in_dim3A_15, %broadcast_in_dim3A_36, %broadcast_in_dim3A_60 in 1 : vector<4096x1xf32>, vector<4096x1xf32>, vector<4096x1xf32> -> vector<4096x3xf32>
    %swap3A = arith.constant 0 : index
    %swap3A_76 = arith.constant 0 : index
    %swap3A_77 = arith.constant 0 : index
    %swap3A_78 = vector.load %arg4[%swap3A, %swap3A_76, %swap3A_77] : memref<1x4096x3xf32, #tpu.memory_space<vmem>>, vector<1x4096x3xf32>
    %swap3A_79 = vector.shape_cast %swap3A_78 : vector<1x4096x3xf32> to vector<4096x3xf32>
    %swap3A_80 = vector.shape_cast %concatenate3A : vector<4096x3xf32> to vector<1x4096x3xf32>
    tpu.vector_store %arg4[%swap3A, %swap3A_76, %swap3A_77], %swap3A_80 {strides = array<i32>} : memref<1x4096x3xf32, #tpu.memory_space<vmem>>, vector<1x4096x3xf32>,
    %concatenate3A_81 = tpu.concatenate %add3A_27, %add3A_51, %add3A_75 in 1 : vector<4096x1xf32>, vector<4096x1xf32>, vector<4096x1xf32> -> vector<4096x3xf32>
    %swap3A_82 = arith.constant 0 : index
    %swap3A_83 = arith.constant 0 : index
    %swap3A_84 = arith.constant 0 : index
    %swap3A_85 = vector.load %arg5[%swap3A_82, %swap3A_83, %swap3A_84] : memref<1x4096x3xf32, #tpu.memory_space<vmem>>, vector<1x4096x3xf32>
    %swap3A_86 = vector.shape_cast %swap3A_85 : vector<1x4096x3xf32> to vector<4096x3xf32>
    %swap3A_87 = vector.shape_cast %concatenate3A_81 : vector<4096x3xf32> to vector<1x4096x3xf32>
    tpu.vector_store %arg5[%swap3A_82, %swap3A_83, %swap3A_84], %swap3A_87 {strides = array<i32>} : memref<1x4096x3xf32, #tpu.memory_space<vmem>>, vector<1x4096x3xf32>,
    return
  }
  func.func @transform_0(%arg0: i32) -> (i32, i32) {
    %c0_i32 = arith.constant 0 : i32
    %c0_i32_0 = arith.constant 0 : i32
    %c0_i32_1 = arith.constant 0 : i32
    return %c0_i32, %c0_i32_0 : i32, i32
  }
  func.func @transform_1(%arg0: i32) -> (i32, i32) {
    %c0_i32 = arith.constant 0 : i32
    %c0_i32_0 = arith.constant 0 : i32
    return %arg0, %c0_i32 : i32, i32
  }
  func.func @transform_2(%arg0: i32) -> (i32, i32) {
    %c0_i32 = arith.constant 0 : i32
    %c0_i32_0 = arith.constant 0 : i32
    %c0_i32_1 = arith.constant 0 : i32
    return %c0_i32, %c0_i32_0 : i32, i32
  }
  func.func @transform_3(%arg0: i32) -> (i32, i32, i32) {
    %c0_i32 = arith.constant 0 : i32
    %c0_i32_0 = arith.constant 0 : i32
    %c0_i32_1 = arith.constant 0 : i32
    return %arg0, %c0_i32, %c0_i32_0 : i32, i32, i32
  }
  func.func @transform_4(%arg0: i32) -> (i32, i32, i32) {
    %c0_i32 = arith.constant 0 : i32
    %c0_i32_0 = arith.constant 0 : i32
    %c0_i32_1 = arith.constant 0 : i32
    return %arg0, %c0_i32, %c0_i32_0 : i32, i32, i32
  }
}

module attributes {stable_mosaic.version = 14 : i64} {
  func.func @_merge_body(%arg0: i32, %arg1: memref<512x294xf32, #tpu.memory_space<vmem>>, %arg2: memref<512x294xf32, #tpu.memory_space<vmem>>, %arg3: memref<512x3xf32, #tpu.memory_space<vmem>>, %arg4: memref<512x3xi32, #tpu.memory_space<vmem>>) attributes {dimension_semantics = [#tpu.dimension_semantics<arbitrary>], iteration_bounds = array<i64: 8>, scalar_prefetch = 0 : i64, scratch_operands = 0 : i64, tpu.core_type = #tpu.core_type<tc>, window_params = [{transform_indices = @transform_0, window_bounds = array<i64: 512, 294>}, {transform_indices = @transform_1, window_bounds = array<i64: 512, 294>}, {transform_indices = @transform_2, window_bounds = array<i64: 512, 3>}, {transform_indices = @transform_3, window_bounds = array<i64: 512, 3>}]} {
    %get3A = arith.constant 0 : index
    %get3A_0 = arith.constant 0 : index
    %get3A_1 = vector.load %arg1[%get3A, %get3A_0] : memref<512x294xf32, #tpu.memory_space<vmem>>, vector<512x294xf32>
    %get3A_2 = arith.constant 0 : index
    %get3A_3 = arith.constant 0 : index
    %get3A_4 = vector.load %arg2[%get3A_2, %get3A_3] : memref<512x294xf32, #tpu.memory_space<vmem>>, vector<512x294xf32>
    %reduce_max3A = arith.constant dense<0xFF800000> : vector<512xf32>
    %reduce_max3A_5 = vector.multi_reduction <maximumf>, %get3A_1, %reduce_max3A [1] : vector<512x294xf32> to vector<512xf32>
    %broadcast_in_dim3A = vector.shape_cast %reduce_max3A_5 : vector<512xf32> to vector<512x1xf32>
    %eq3A = vector.broadcast %broadcast_in_dim3A : vector<512x1xf32> to vector<512x294xf32>
    %eq3A_6 = arith.cmpf oeq, %get3A_1, %eq3A : vector<512x294xf32>
    %jit3A = arith.constant 0x4B800000 : f32
    %broadcast_in_dim3A_7 = vector.broadcast %jit3A : f32 to vector<512x294xf32>
    %select_n3A = arith.select %eq3A_6, %get3A_4, %broadcast_in_dim3A_7 : vector<512x294xi1>, vector<512x294xf32>
    %reduce_min3A = arith.constant dense<0x7F800000> : vector<512xf32>
    %reduce_min3A_8 = vector.multi_reduction <minimumf>, %select_n3A, %reduce_min3A [1] : vector<512x294xf32> to vector<512xf32>
    %broadcast_in_dim3A_9 = vector.shape_cast %reduce_min3A_8 : vector<512xf32> to vector<512x1xf32>
    %eq3A_10 = vector.broadcast %broadcast_in_dim3A_9 : vector<512x1xf32> to vector<512x294xf32>
    %eq3A_11 = arith.cmpf oeq, %get3A_4, %eq3A_10 : vector<512x294xf32>
    %and3A = arith.andi %eq3A_6, %eq3A_11 : vector<512x294xi1>
    %jit3A_12 = arith.constant 0xFF800000 : f32
    %broadcast_in_dim3A_13 = vector.broadcast %jit3A_12 : f32 to vector<512x294xf32>
    %select_n3A_14 = arith.select %and3A, %broadcast_in_dim3A_13, %get3A_1 : vector<512x294xi1>, vector<512x294xf32>
    %reduce_max3A_15 = arith.constant dense<0xFF800000> : vector<512xf32>
    %reduce_max3A_16 = vector.multi_reduction <maximumf>, %select_n3A_14, %reduce_max3A_15 [1] : vector<512x294xf32> to vector<512xf32>
    %broadcast_in_dim3A_17 = vector.shape_cast %reduce_max3A_16 : vector<512xf32> to vector<512x1xf32>
    %eq3A_18 = vector.broadcast %broadcast_in_dim3A_17 : vector<512x1xf32> to vector<512x294xf32>
    %eq3A_19 = arith.cmpf oeq, %select_n3A_14, %eq3A_18 : vector<512x294xf32>
    %jit3A_20 = arith.constant 0x4B800000 : f32
    %broadcast_in_dim3A_21 = vector.broadcast %jit3A_20 : f32 to vector<512x294xf32>
    %select_n3A_22 = arith.select %eq3A_19, %get3A_4, %broadcast_in_dim3A_21 : vector<512x294xi1>, vector<512x294xf32>
    %reduce_min3A_23 = arith.constant dense<0x7F800000> : vector<512xf32>
    %reduce_min3A_24 = vector.multi_reduction <minimumf>, %select_n3A_22, %reduce_min3A_23 [1] : vector<512x294xf32> to vector<512xf32>
    %broadcast_in_dim3A_25 = vector.shape_cast %reduce_min3A_24 : vector<512xf32> to vector<512x1xf32>
    %eq3A_26 = vector.broadcast %broadcast_in_dim3A_25 : vector<512x1xf32> to vector<512x294xf32>
    %eq3A_27 = arith.cmpf oeq, %get3A_4, %eq3A_26 : vector<512x294xf32>
    %and3A_28 = arith.andi %eq3A_19, %eq3A_27 : vector<512x294xi1>
    %jit3A_29 = arith.constant 0xFF800000 : f32
    %broadcast_in_dim3A_30 = vector.broadcast %jit3A_29 : f32 to vector<512x294xf32>
    %select_n3A_31 = arith.select %and3A_28, %broadcast_in_dim3A_30, %select_n3A_14 : vector<512x294xi1>, vector<512x294xf32>
    %reduce_max3A_32 = arith.constant dense<0xFF800000> : vector<512xf32>
    %reduce_max3A_33 = vector.multi_reduction <maximumf>, %select_n3A_31, %reduce_max3A_32 [1] : vector<512x294xf32> to vector<512xf32>
    %broadcast_in_dim3A_34 = vector.shape_cast %reduce_max3A_33 : vector<512xf32> to vector<512x1xf32>
    %eq3A_35 = vector.broadcast %broadcast_in_dim3A_34 : vector<512x1xf32> to vector<512x294xf32>
    %eq3A_36 = arith.cmpf oeq, %select_n3A_31, %eq3A_35 : vector<512x294xf32>
    %jit3A_37 = arith.constant 0x4B800000 : f32
    %broadcast_in_dim3A_38 = vector.broadcast %jit3A_37 : f32 to vector<512x294xf32>
    %select_n3A_39 = arith.select %eq3A_36, %get3A_4, %broadcast_in_dim3A_38 : vector<512x294xi1>, vector<512x294xf32>
    %reduce_min3A_40 = arith.constant dense<0x7F800000> : vector<512xf32>
    %reduce_min3A_41 = vector.multi_reduction <minimumf>, %select_n3A_39, %reduce_min3A_40 [1] : vector<512x294xf32> to vector<512xf32>
    %broadcast_in_dim3A_42 = vector.shape_cast %reduce_min3A_41 : vector<512xf32> to vector<512x1xf32>
    %concatenate3A = tpu.concatenate %broadcast_in_dim3A, %broadcast_in_dim3A_17, %broadcast_in_dim3A_34 in 1 : vector<512x1xf32>, vector<512x1xf32>, vector<512x1xf32> -> vector<512x3xf32>
    %swap3A = arith.constant 0 : index
    %swap3A_43 = arith.constant 0 : index
    %swap3A_44 = vector.load %arg3[%swap3A, %swap3A_43] : memref<512x3xf32, #tpu.memory_space<vmem>>, vector<512x3xf32>
    tpu.vector_store %arg3[%swap3A, %swap3A_43], %concatenate3A {strides = array<i32>} : memref<512x3xf32, #tpu.memory_space<vmem>>, vector<512x3xf32>,
    %concatenate3A_45 = tpu.concatenate %broadcast_in_dim3A_9, %broadcast_in_dim3A_25, %broadcast_in_dim3A_42 in 1 : vector<512x1xf32>, vector<512x1xf32>, vector<512x1xf32> -> vector<512x3xf32>
    %convert_element_type3A = arith.fptosi %concatenate3A_45 : vector<512x3xf32> to vector<512x3xi32>
    %swap3A_46 = arith.constant 0 : index
    %swap3A_47 = arith.constant 0 : index
    %swap3A_48 = vector.load %arg4[%swap3A_46, %swap3A_47] : memref<512x3xi32, #tpu.memory_space<vmem>>, vector<512x3xi32>
    tpu.vector_store %arg4[%swap3A_46, %swap3A_47], %convert_element_type3A {strides = array<i32>} : memref<512x3xi32, #tpu.memory_space<vmem>>, vector<512x3xi32>,
    return
  }
  func.func @transform_0(%arg0: i32) -> (i32, i32) {
    %c0_i32 = arith.constant 0 : i32
    %c0_i32_0 = arith.constant 0 : i32
    return %arg0, %c0_i32 : i32, i32
  }
  func.func @transform_1(%arg0: i32) -> (i32, i32) {
    %c0_i32 = arith.constant 0 : i32
    %c0_i32_0 = arith.constant 0 : i32
    return %arg0, %c0_i32 : i32, i32
  }
  func.func @transform_2(%arg0: i32) -> (i32, i32) {
    %c0_i32 = arith.constant 0 : i32
    %c0_i32_0 = arith.constant 0 : i32
    return %arg0, %c0_i32 : i32, i32
  }
  func.func @transform_3(%arg0: i32) -> (i32, i32) {
    %c0_i32 = arith.constant 0 : i32
    %c0_i32_0 = arith.constant 0 : i32
    return %arg0, %c0_i32 : i32, i32
  }
}

</mosaic_0001>

<sc_bundles>
// kernel: kernel.5.cloned.1.call-start
scs
__scs_entry_jumppad:
0x0: {  	(pc) =	sbr.rel $0x88, $3  }
0x1: {  	(tag) =	ssettag $0x0;
	lr =	simm.s32 $0x1  }
0x2: {  	[smem:$0x3F9E] =	sst lr;
	_ =	strace $0xD0000000  }
0x3: {  	_ = 	snop  }
0x4: {  	_ = 	snop  }
0x5: {  	_ = 	snop  }
0x6: {  	_ = 	snop  }
0x7: {  	_ = 	snop  }
__scs_overlays_trampoline_lowered:
0x8: {  	[smem:$0x3FAD] =	sst s0  }
0x9: {  	[smem:$0x3FAE] =	sst s1  }
0xa: {  	[smem:$0x3FAF] =	sst s2  }
0xb: {  	[smem:$0x3FB0] =	sst s3  }
0xc: {  	[smem:$0x3FB1] =	sst s4  }
0xd: {  	[smem:$0x3FB2] =	sst s5  }
0xe: {  	[smem:$0x3FB3] =	sst s6  }
0xf: {  	[smem:$0x3FB4] =	sst s7  }
0x10: {  	[smem:$0x3FB5] =	sst s8  }
0x11: {  	[smem:$0x3FB6] =	sst s9;
	s0 =	simm.s32 @!p0 $0x0  }
0x12: {  	s1 =	sld [smem:$0x3F9C];
	s0 =	simm.s32 @p0 $0x1  }
0x13: {  	[smem:$0x3FB7] =	sst s0;
	s0 =	simm.s32 @!p1 $0x0  }
0x14: {  	s2 =	sld [smem:$0x3F9B];
	s0 =	simm.s32 @p1 $0x1  }
0x15: {  	[smem:$0x3FB8] =	sst s0;
	s0 =	simm.s32 @!p2 $0x0  }
0x16: {  	s3 =	sld [smem:$0x3FDB];
	s0 =	simm.s32 @p2 $0x1  }
0x17: {  	s4 =	simm.s32 $0x1BF5;
	[smem:$0x3FBA] =	sst s0  }
0x18: {  	s0 =	sld [smem:$0x3F9D];
	_ =	swait.ge [sflag:s4], $0x0  }
0x19: {  	s7 =	sld [smem:$0x3F9E]  }
0x1a: {  	s8 =	sadd.s32 $0xFFFFE003, lr  }
0x1b: {  	s9 =	sadd.s32 $0xFFFFFEF7, lr;
	s5 =	simm.s32 $0xFFFFFFFF;
	p2 =	slt.u32 s8, $0xFFFFF086  }
0x1c: {  	p1 =	slt.u32 s9, $0xF7A;
	s5 =	simm.s32 @!p2 $0x0  }
0x1d: {  	s5 =	simm.s32 @p1 $0x1;
	p0 =	seq.s32 s7, s2  }
0x1e: {  	s7 =	smul.u32 @!p0 $0xF7A, s2;
	p2 =	seq.s32 @!p0 s5, $0x0  }
0x1f: {  	s9 =	smul.u32 $0xF7A, s1;
	s8 =	simm.s32 @!p0 $0x1BF5;
	p2 =	por !p2, p0  }
0x20: {  	[sflag:s8] =	ssyncset.s32 @!p0 $0xFFFFF086;
	s6 =	sadd.s32 @!p0 s3, s7;
	s7 =	simm.s32 @!p0 $0x108  }
0x21: {  	s3 =	sadd.s32 s3, s9;
	s6 =	sadd.s32 @!p0 $0x88, s6;
	s7 =	simm.s32 @p2 $0x1082  }
0x22: {  	[simem:s7], [sflag:s8] =	dma.local @!p0 [hbm:s6], $0xF7A  }
0x23: {  	s9 =	sor.u32 $0xD0000000, s2;
	s6 =	simm.s32 $0x108;
	_ =	swait.ge @!p0 [sflag:s8], $0x0  }
0x24: {  	s3 =	sadd.s32 $0x88, s3;
	s6 =	simm.s32 @!p1 $0x1082;
	[sflag:s4] =	ssyncset.s32 $0xFFFFF086  }
0x25: {  	[simem:s6], [sflag:s4] =	dma.local [hbm:s3], $0xF7A  }
0x26: {  	[smem:$0x3F9E] =	sst s1;
	(tag) =	ssettag s2;
	_ =	strace s9  }
0x27: {  	s1 =	sld [smem:$0x3FAE]  }
0x28: {  	s2 =	sld [smem:$0x3FAF]  }
0x29: {  	s4 =	sld [smem:$0x3FB1]  }
0x2a: {  	p0 =	seq.s32 s5, $0x0;
	s5 =	sld [smem:$0x3FB2]  }
0x2b: {  	s6 =	sld [smem:$0x3FB3]  }
0x2c: {  	s7 =	sld [smem:$0x3FB4]  }
0x2d: {  	s3 =	simm.s32 $0x108;
	s8 =	sld [smem:$0x3FB5]  }
0x2e: {  	s3 =	simm.s32 @!p0 $0x1082;
	s9 =	sld [smem:$0x3FB6]  }
0x2f: {  	lr =	sadd.s32 s0, s3;
	s0 =	sld [smem:$0x3FAD]  }
0x30: {  	s3 =	sld [smem:$0x3FB0]  }
0x31: {  	[smem:$0x3FB9] =	sst s10  }
0x32: {  	s10 =	sld [smem:$0x3FB7];
	_ =	sdelay $0x3  }
0x33: {  	p0 =	seq.s32 s10, $0x1;
	s10 =	sld [smem:$0x3FB9];
	_ =	sdelay $0x3  }
0x34: {  	[smem:$0x3FB9] =	sst s10  }
0x35: {  	s10 =	sld [smem:$0x3FB8];
	_ =	sdelay $0x3  }
0x36: {  	p1 =	seq.s32 s10, $0x1;
	s10 =	sld [smem:$0x3FB9];
	_ =	sdelay $0x3  }
0x37: {  	[smem:$0x3FB9] =	sst s10  }
0x38: {  	s10 =	sld [smem:$0x3FBA]  }
0x39: {  	_ = 	snop;
	(pc) =	sbr.ind lr, $3  }
0x3a: {  	_ = 	snop  }
0x3b: {  	_ = 	snop  }
0x3c: {  	p2 =	seq.s32 s10, $0x1;
	s10 =	sld [smem:$0x3FB9]  }
0x3d: {  	_ =	shalt  }
0x3e: {  	_ =	shalt  }
0x3f: {  	_ =	shalt  }
0x40: {  	_ =	shalt  }
0x41: {  	_ =	shalt  }
0x42: {  	_ =	shalt  }
0x43: {  	_ =	shalt  }
0x44: {  	_ =	shalt  }
0x45: {  	_ =	shalt  }
0x46: {  	_ =	shalt  }
0x47: {  	_ =	shalt  }
0x48: {  	_ =	shalt  }
0x49: {  	_ =	shalt  }
0x4a: {  	_ =	shalt  }
0x4b: {  	_ =	shalt  }
0x4c: {  	_ =	shalt  }
0x4d: {  	_ =	shalt  }
0x4e: {  	_ =	shalt  }
0x4f: {  	_ =	shalt  }
0x50: {  	_ =	shalt  }
0x51: {  	_ =	shalt  }
0x52: {  	_ =	shalt  }
0x53: {  	_ =	shalt  }
0x54: {  	_ =	shalt  }
0x55: {  	_ =	shalt  }
0x56: {  	_ =	shalt  }
0x57: {  	_ =	shalt  }
0x58: {  	_ =	shalt  }
0x59: {  	_ =	shalt  }
0x5a: {  	_ =	shalt  }
0x5b: {  	_ =	shalt  }
0x5c: {  	_ =	shalt  }
0x5d: {  	_ =	shalt  }
0x5e: {  	_ =	shalt  }
0x5f: {  	_ =	shalt  }
0x60: {  	_ =	shalt  }
0x61: {  	_ =	shalt  }
0x62: {  	_ =	shalt  }
0x63: {  	_ =	shalt  }
0x64: {  	_ =	shalt  }
0x65: {  	_ =	shalt  }
0x66: {  	_ =	shalt  }
0x67: {  	_ =	shalt  }
0x68: {  	_ =	shalt  }
0x69: {  	_ =	shalt  }
0x6a: {  	_ =	shalt  }
0x6b: {  	_ =	shalt  }
0x6c: {  	_ =	shalt  }
0x6d: {  	_ =	shalt  }
0x6e: {  	_ =	shalt  }
0x6f: {  	_ =	shalt  }
0x70: {  	_ =	shalt  }
0x71: {  	_ =	shalt  }
0x72: {  	_ =	shalt  }
0x73: {  	_ =	shalt  }
0x74: {  	_ =	shalt  }
0x75: {  	_ =	shalt  }
0x76: {  	_ =	shalt  }
0x77: {  	_ =	shalt  }
0x78: {  	_ =	shalt  }
0x79: {  	_ =	shalt  }
0x7a: {  	_ =	shalt  }
0x7b: {  	_ =	shalt  }
0x7c: {  	_ =	shalt  }
0x7d: {  	_ =	shalt  }
0x7e: {  	_ =	shalt  }
0x7f: {  	_ =	shalt  }
0x80: {  	_ =	shalt  }
0x81: {  	_ =	shalt  }
0x82: {  	_ =	shalt  }
0x83: {  	_ =	shalt  }
0x84: {  	_ =	shalt  }
0x85: {  	_ =	shalt  }
0x86: {  	_ =	shalt  }
0x87: {  	_ =	shalt  }
.Lfunc_end0:
.L_simem_size_0:
called_computation_lowered:
.L_overlay_start_0:
0x88: {  	s2 =	sld [smem:$0x3FD9]  }
0x89: {  	s3 =	sld [smem:$0x3FFE];
	_ =	sdelay $0x1  }
0x8a: {  	s1 =	srdreg.scid  }
0x8b: {  	s0 =	sand.u32 $0x1, s1  }
0x8c: {  	s17 =	sshll.u32 s0, $0xA;
	s2 =	sadd.s32 s3, s2  }
0x8d: {  	s2 =	sadd.s32 s2, s17  }
0x8e: {  	[smem:$0x3FC5] =	sst s2  }
0x8f: {  	_ = 	snop  }
0x90: {  	s2 =	sld [smem:$0x3FC9]  }
0x91: {  	s18 =	sld [smem:$0x3FC8];
	(tm) =	ssettm $0x1  }
0x92: {  	s4 =	sld [smem:$0x3FFB];
	_ =	sdelay $0x3  }
0x93: {  	_ =	strace s4  }
0x94: {  	s4 =	sld [smem:$0x3FFC];
	_ =	sdelay $0x3  }
0x95: {  	_ =	strace s4  }
0x96: {  	s4 =	sld [smem:$0x3FFD];
	_ =	sdelay $0x3  }
0x97: {  	_ =	strace s4  }
0x98: {  	_ =	strace $0x8FFFFFFF  }
0x99: {  	s19 =	sld [smem:$0x3FDB];
	_ =	sdelay $0x1  }
0x9a: {  	s5 =	simm.s32 $_scs_section_size  }
0x9b: {  	s6 =	simm.s32 $_size__tile_overlayer_lowered;
	s7 =	simm.s32 $_tile_overlayer_lowered  }
0x9c: {  	s22 =	simm.s32 $0x1BFF;
	s21 =	sshll.u32 s7, $0x1;
	s4 =	sadd.s32 s5, s19  }
0x9d: {  	s8 =	simm.s32 $0x0;
	s20 =	sshll.u32 s6, $0x1;
	s6 =	sadd.s32 s21, s4  }
0x9e: {  	[timem:s8], [sflag:s22] =	dma.local [hbm:s6], s20  }
0x9f: {  	_ =	swait.ge [sflag:s22], s20  }
0xa0: {  	s5 =	ssub.s32 $0x0, s20;
	[sflag:s22] =	ssyncset.done $0x0  }
0xa1: {  	[sflag:s22] =	ssyncadd.s32 s5;
	_ =	sdelay $0x1  }
0xa2: {  	s23 =	simm.s32 $0x1B8B  }
0xa3: {  	_ =	swait.ge [sflag:s23], $0x1  }
0xa4: {  	[sflag:s23] =	ssyncset.done $0x0  }
0xa5: {  	s25 =	simm.s32 $0x1B8E;
	s24 =	sld [smem:$0x3FFE];
	[sflag:s23] =	ssyncadd.s32 $0xFFFFFFFF  }
0xa6: {  	s26 =	simm.s32 $execute0_lowered;
	[smem:$0x3FD2] =	sst s25  }
0xa7: {  	s6 =	sshll.u32 s26, $0x1;
	_ =	strace $0x80000046;
	[dreg:$0x1] =	wrdreg $0xFFFFFFFF  }
0xa8: {  	s28 =	simm.s32 $_size_execute0_lowered;
	s4 =	sadd.s32 s4, s6;
	[dreg:$0x0] =	wrdreg $0x0  }
0xa9: {  	s6 =	sshll.u32 s28, $0x1;
	[dreg:$0x2] =	wrdreg s4  }
0xaa: {  	[dreg:$0x3] =	wrdreg s6  }
0xab: {  	[dreg:$0x4] =	wrdreg $0xC0  }
0xac: {  	_ =	task [dreg:s8], $0x5FFFF  }
0xad: {  	[dreg:$0x1] =	wrdreg $0xFFFFFFFF  }
0xae: {  	[dreg:$0x0] =	wrdreg $0x60  }
0xaf: {  	[dreg:$0x2] =	wrdreg s18  }
0xb0: {  	[dreg:$0x3] =	wrdreg s2  }
0xb1: {  	[dreg:$0x4] =	wrdreg s24  }
0xb2: {  	[dreg:$0x5] =	wrdreg $0x9  }
0xb3: {  	_ =	task.clear_ibuf [dreg:s8], $0x6FFFF;
	_ =	strace $0x90000046  }
0xb4: {  	s29 =	simm.s32 $0x9;
	_ =	strace $0x80000048  }
0xb5: {  	_ =	swait.ge [sflag:s29], $0x1  }
0xb6: {  	[sflag:s29] =	ssyncadd.s32 $0xFFFFFFFF  }
0xb7: {  	_ =	strace $0x90000048  }
0xb8: {  	_ =	sfence  }
0xb9: {  	s30 =	sld [smem:$0x0];
	_ =	sdelay $0x2  }
0xba: {  	s31 =	sshll.u32 s1, $0xD;
	s1 =	sshrl.u32 s1, $0x2  }
0xbb: {  	s3 =	sand.u32 $0x4000, s31;
	s1 =	sadd.s32 s1, s30  }
0xbc: {  	s0 =	sor.u32 s3, s0;
	s1 =	sshll.u32 s1, $0x11  }
0xbd: {  	s0 =	sor.u32 s1, s0  }
0xbe: {  	s0 =	sadd.s32 $0x8F2B, s0  }
0xbf: {  	[sflag:s0] =	ssyncadd.remote.s32 $0x1  }
0xc0: {  	_ =	sfence.sel $0xFFFF  }
0xc1: {  	[dreg:$0x0] =	wrdreg $0xFFFFFFFF;
	(pc) =	sbr.abs _section_cstart, $3  }
0xc2: {  	[dreg:$0x1] =	wrdreg $0xFFFFFFFF  }
0xc3: {  	_ =	task.clear_ibuf [dreg:s8], $0x2FFFF;
	_ =	strace $0x9FFFFFFF  }
0xc4: {  	(tm) =	ssettm $0x7FFFFFFF  }
0xc5: {  	_ =	shalt  }
tec
execute0_lowered:
.L_overlay_start_1:
0x0: {  	(tag) =	ssettag $0x1  }
0x1: {  	s1 =	rddreg [dreg:$0x0];
	s5 =	simm.s32 $0x0  }
0x2: {  	[smem:$0x7FF] =	sst s5  }
0x3: {  	s0 =	rddreg [dreg:$0x2];
	v0 =	vimm.f32 $3.000000000e+00;
	_ =	strace $0x80000047  }
0x4: {  	s2 =	srdreg.scid;
	s3 =	stileid.u32;
	(erf) = vrcp.f32 v0  }
0x5: {  	s10 =	simm.s32 $0x2;
	s28 =	simm.s32 $0x8080;
	s29 =	simm.s32 $0x8880  }
0x6: {  	s30 =	simm.s32 $0x9080;
	s31 =	simm.s32 $0x9880;
	s8 =	simm.s32 $0xB880  }
0x7: {  	s9 =	simm.s32 $0x1;
	s12 =	simm.s32 $0x0;
	s2 =	sand.u32 $0x1, s2  }
0x8: {  	s3 =	sshll.u32 s3, $0x8;
	s4 =	sshll.u32 s2, $0x7;
	s2 =	ssub.s32 $0x2, s2  }
0x9: {  	s6 =	sadd.s32 $0x20C00, s0;
	s5 =	sor.u32 s4, s3;
	s25 =	sshrl.u32 s2, $0x1  }
0xa: {  	s7 =	sadd.s32 $0x100, s1;
	s3 =	sshll.u32 s5, $0x4;
	s2 =	ssub.s32 s2, s25  }
0xb: {  	v3 =	vlaneseq.u32;
	s4 =	simm.s32 $0xB080;
	s0 =	sadd.s32 s3, s0;
	s26 =	smax.u32 s2, $0x1  }
0xc: {  	vm0 =	vmmov $0xffff;
	v2 =	vshrl.u32 v3, $0x3;
	s2 =	simm.s32 $0xA880;
	s0 =	sadd.s32 $0x21200, s0;
	[dreg:$0x5] =	wrdreg s26  }
0xd: {  	v2 =	vmul.u32 $0x8, v2;
	v0 =	vand.u32 $0x7, v3;
	v3 =	vor.u32 $0x8, v3;
	s3 =	simm.s32 $0xC080;
	[dreg:$0x4] =	wrdreg s0;
	s0 =	simm.s32 $0xA080;
	v1 =	vpop (erf)  }
.LBB2_1:
0xe: {  	[dreg:$0x6] =	wrdreg s12;
	s11 =	simm.s32 $0x0  }
.LBB2_2:
0xf: {  	s12 =	sshll.u32 s11, $0x5  }
0x10: {  	s14 =	sor.u32 s5, s12  }
0x11: {  	s13 =	smul.u32 $0x3, s14;
	_ =	sdelay $0x1  }
0x12: {  	s13 =	sshrl.u32 s13, $0x3  }
0x13: {  	s15 =	sadd.s32 s6, s13;
	s13 =	simm.s32 $0x0  }
0x14: {  	[tilespmem:s13], [sflag:$0x2] =	stream.linear.gather [hbm4b:s15+s13], $0x60, $0x38;
	[tilespmem:$0x14080] =	vst v63  }
0x15: {  	_ =	swait.ge [sflag:s10], $0x60  }
0x16: {  	[sflag:s10] =	ssyncset.done $0x0  }
0x17: {  	[sflag:s10] =	ssyncadd.s32 $0xFFFFFFA0  }
0x18: {  	v4 =	vld [tilespmem:$0x0];
	_ =	sdelay $0x4  }
0x19: {  	v5 =	vshll.u32 v4, $0x2  }
0x1a: {  	v4 =	vand.u32 $0x7, v4;
	v5 =	vand.u32 $0xFFFFFFE0, v5  }
0x1b: {  	v4 =	vor.u32 v4, v5  }
0x1c: {  	v5 =	vperm.xlane v4, v0;
	_ =	sdelay $0x1  }
0x1d: {  	v5 =	vadd.s32 v2, v5;
	_ =	sdelay $0x1  }
0x1e: {  	v4 =	vperm.xlane v4, v3;
	_ =	sdelay $0x1  }
0x1f: {  	s21 =	simm.s32 $0x80;
	v4 =	vadd.s32 v2, v4  }
0x20: {  	[tilespmem:s21], [sflag:$0x1] =	stream.indirect_vreg.gather [hbm4b:s1+s13], $0x80, v5, vm0, $0xb8;
	[tilespmem:$0x14080] =	vst v63  }
0x21: {  	s22 =	simm.s32 $0x880  }
0x22: {  	[tilespmem:s22], [sflag:$0x1] =	stream.indirect_vreg.gather [hbm4b:s7+s13], $0x80, v5, vm0, $0xb8;
	[tilespmem:$0x14080] =	vst v63  }
0x23: {  	s23 =	simm.s32 $0x1080  }
0x24: {  	[tilespmem:s23], [sflag:$0x1] =	stream.indirect_vreg.gather [hbm4b:s1+s13], $0x80, v4, vm0, $0xb8;
	[tilespmem:$0x14080] =	vst v63  }
0x25: {  	s24 =	simm.s32 $0x1880  }
0x26: {  	[tilespmem:s24], [sflag:$0x1] =	stream.indirect_vreg.gather [hbm4b:s7+s13], $0x80, v4, vm0, $0xb8;
	[tilespmem:$0x14080] =	vst v63  }
0x27: {  	v4 =	vld [tilespmem:$0x10];
	_ =	sdelay $0x4  }
0x28: {  	v5 =	vshll.u32 v4, $0x2  }
0x29: {  	v4 =	vand.u32 $0x7, v4;
	v5 =	vand.u32 $0xFFFFFFE0, v5  }
0x2a: {  	v4 =	vor.u32 v4, v5  }
0x2b: {  	v5 =	vperm.xlane v4, v0;
	_ =	sdelay $0x1  }
0x2c: {  	v5 =	vadd.s32 v2, v5;
	_ =	sdelay $0x1  }
0x2d: {  	v4 =	vperm.xlane v4, v3;
	_ =	sdelay $0x1  }
0x2e: {  	s25 =	simm.s32 $0x2080;
	v4 =	vadd.s32 v2, v4  }
0x2f: {  	[tilespmem:s25], [sflag:$0x1] =	stream.indirect_vreg.gather [hbm4b:s1+s13], $0x80, v5, vm0, $0xb8;
	[tilespmem:$0x14080] =	vst v63  }
0x30: {  	s26 =	simm.s32 $0x2880  }
0x31: {  	[tilespmem:s26], [sflag:$0x1] =	stream.indirect_vreg.gather [hbm4b:s7+s13], $0x80, v5, vm0, $0xb8;
	[tilespmem:$0x14080] =	vst v63  }
0x32: {  	s16 =	simm.s32 $0x3080  }
0x33: {  	[tilespmem:s16], [sflag:$0x1] =	stream.indirect_vreg.gather [hbm4b:s1+s13], $0x80, v4, vm0, $0xb8;
	[tilespmem:$0x14080] =	vst v63  }
0x34: {  	s17 =	simm.s32 $0x3880  }
0x35: {  	[tilespmem:s17], [sflag:$0x1] =	stream.indirect_vreg.gather [hbm4b:s7+s13], $0x80, v4, vm0, $0xb8;
	[tilespmem:$0x14080] =	vst v63  }
0x36: {  	v4 =	vld [tilespmem:$0x20];
	_ =	sdelay $0x4  }
0x37: {  	v5 =	vshll.u32 v4, $0x2  }
0x38: {  	v4 =	vand.u32 $0x7, v4;
	v5 =	vand.u32 $0xFFFFFFE0, v5  }
0x39: {  	v4 =	vor.u32 v4, v5  }
0x3a: {  	v5 =	vperm.xlane v4, v0;
	_ =	sdelay $0x1  }
0x3b: {  	v5 =	vadd.s32 v2, v5;
	_ =	sdelay $0x1  }
0x3c: {  	v4 =	vperm.xlane v4, v3;
	_ =	sdelay $0x1  }
0x3d: {  	s18 =	simm.s32 $0x4080;
	v4 =	vadd.s32 v2, v4  }
0x3e: {  	[tilespmem:s18], [sflag:$0x1] =	stream.indirect_vreg.gather [hbm4b:s1+s13], $0x80, v5, vm0, $0xb8;
	[tilespmem:$0x14080] =	vst v63  }
0x3f: {  	s19 =	simm.s32 $0x4880  }
0x40: {  	[tilespmem:s19], [sflag:$0x1] =	stream.indirect_vreg.gather [hbm4b:s7+s13], $0x80, v5, vm0, $0xb8;
	[tilespmem:$0x14080] =	vst v63  }
0x41: {  	s20 =	simm.s32 $0x5080  }
0x42: {  	[tilespmem:s20], [sflag:$0x1] =	stream.indirect_vreg.gather [hbm4b:s1+s13], $0x80, v4, vm0, $0xb8;
	[tilespmem:$0x14080] =	vst v63  }
0x43: {  	s21 =	simm.s32 $0x5880  }
0x44: {  	[tilespmem:s21], [sflag:$0x1] =	stream.indirect_vreg.gather [hbm4b:s7+s13], $0x80, v4, vm0, $0xb8;
	[tilespmem:$0x14080] =	vst v63  }
0x45: {  	v4 =	vld [tilespmem:$0x30];
	_ =	sdelay $0x4  }
0x46: {  	v5 =	vshll.u32 v4, $0x2  }
0x47: {  	v4 =	vand.u32 $0x7, v4;
	v5 =	vand.u32 $0xFFFFFFE0, v5  }
0x48: {  	v4 =	vor.u32 v4, v5  }
0x49: {  	v5 =	vperm.xlane v4, v0;
	_ =	sdelay $0x1  }
0x4a: {  	v5 =	vadd.s32 v2, v5;
	_ =	sdelay $0x1  }
0x4b: {  	v4 =	vperm.xlane v4, v3;
	_ =	sdelay $0x1  }
0x4c: {  	s22 =	simm.s32 $0x6080;
	v4 =	vadd.s32 v2, v4  }
0x4d: {  	[tilespmem:s22], [sflag:$0x1] =	stream.indirect_vreg.gather [hbm4b:s1+s13], $0x80, v5, vm0, $0xb8;
	[tilespmem:$0x14080] =	vst v63  }
0x4e: {  	s23 =	simm.s32 $0x6880  }
0x4f: {  	[tilespmem:s23], [sflag:$0x1] =	stream.indirect_vreg.gather [hbm4b:s7+s13], $0x80, v5, vm0, $0xb8;
	[tilespmem:$0x14080] =	vst v63  }
0x50: {  	s24 =	simm.s32 $0x7080  }
0x51: {  	[tilespmem:s24], [sflag:$0x1] =	stream.indirect_vreg.gather [hbm4b:s1+s13], $0x80, v4, vm0, $0xb8;
	[tilespmem:$0x14080] =	vst v63  }
0x52: {  	s25 =	simm.s32 $0x7880  }
0x53: {  	[tilespmem:s25], [sflag:$0x1] =	stream.indirect_vreg.gather [hbm4b:s7+s13], $0x80, v4, vm0, $0xb8;
	[tilespmem:$0x14080] =	vst v63  }
0x54: {  	v4 =	vld [tilespmem:$0x40];
	_ =	sdelay $0x4  }
0x55: {  	v5 =	vshll.u32 v4, $0x2  }
0x56: {  	v4 =	vand.u32 $0x7, v4;
	v5 =	vand.u32 $0xFFFFFFE0, v5  }
0x57: {  	v4 =	vor.u32 v4, v5  }
0x58: {  	v5 =	vperm.xlane v4, v0;
	_ =	sdelay $0x1  }
0x59: {  	v5 =	vadd.s32 v2, v5;
	_ =	sdelay $0x1  }
0x5a: {  	v4 =	vperm.xlane v4, v3;
	_ =	sdelay $0x1  }
0x5b: {  	v4 =	vadd.s32 v2, v4  }
0x5c: {  	[tilespmem:s28], [sflag:$0x1] =	stream.indirect_vreg.gather [hbm4b:s1+s13], $0x80, v5, vm0, $0xb8;
	[tilespmem:$0x14080] =	vst v63  }
0x5d: {  	_ = 	snop  }
0x5e: {  	[tilespmem:s29], [sflag:$0x1] =	stream.indirect_vreg.gather [hbm4b:s7+s13], $0x80, v5, vm0, $0xb8;
	[tilespmem:$0x14080] =	vst v63  }
0x5f: {  	_ = 	snop  }
0x60: {  	[tilespmem:s30], [sflag:$0x1] =	stream.indirect_vreg.gather [hbm4b:s1+s13], $0x80, v4, vm0, $0xb8;
	[tilespmem:$0x14080] =	vst v63  }
0x61: {  	_ = 	snop  }
0x62: {  	[tilespmem:s31], [sflag:$0x1] =	stream.indirect_vreg.gather [hbm4b:s7+s13], $0x80, v4, vm0, $0xb8;
	[tilespmem:$0x14080] =	vst v63  }
0x63: {  	v4 =	vld [tilespmem:$0x50];
	_ =	sdelay $0x4  }
0x64: {  	v5 =	vshll.u32 v4, $0x2  }
0x65: {  	v4 =	vand.u32 $0x7, v4;
	v5 =	vand.u32 $0xFFFFFFE0, v5  }
0x66: {  	v4 =	vor.u32 v4, v5  }
0x67: {  	v5 =	vperm.xlane v4, v0;
	_ =	sdelay $0x1  }
0x68: {  	v5 =	vadd.s32 v2, v5;
	_ =	sdelay $0x1  }
0x69: {  	v4 =	vperm.xlane v4, v3;
	_ =	sdelay $0x1  }
0x6a: {  	v4 =	vadd.s32 v2, v4  }
0x6b: {  	[tilespmem:s0], [sflag:$0x1] =	stream.indirect_vreg.gather [hbm4b:s1+s13], $0x80, v5, vm0, $0xb8;
	[tilespmem:$0x14080] =	vst v63  }
0x6c: {  	_ = 	snop  }
0x6d: {  	[tilespmem:s2], [sflag:$0x1] =	stream.indirect_vreg.gather [hbm4b:s7+s13], $0x80, v5, vm0, $0xb8;
	[tilespmem:$0x14080] =	vst v63  }
0x6e: {  	_ = 	snop  }
0x6f: {  	[tilespmem:s4], [sflag:$0x1] =	stream.indirect_vreg.gather [hbm4b:s1+s13], $0x80, v4, vm0, $0xb8;
	[tilespmem:$0x14080] =	vst v63  }
0x70: {  	_ = 	snop  }
0x71: {  	[tilespmem:s8], [sflag:$0x1] =	stream.indirect_vreg.gather [hbm4b:s7+s13], $0x80, v4, vm0, $0xb8;
	[tilespmem:$0x14080] =	vst v63  }
0x72: {  	_ =	swait.ge [sflag:s9], $0xC000  }
0x73: {  	[sflag:s9] =	ssyncset.done $0x0  }
0x74: {  	[sflag:s9] =	ssyncadd.s32 $0xFFFF4000  }
0x75: {  	s14 =	sshll.u32 s14, $0x6;
	s26 =	rddreg [dreg:$0x1]  }
0x76: {  	s14 =	sadd.s32 s26, s14  }
0x77: {  	[tilespmem:s3], [sflag:$0x2] =	stream.linear.gather [hbm4b:s14+s13], $0x4000, $0x38;
	[tilespmem:$0x14080] =	vst v63  }
0x78: {  	_ =	swait.ge [sflag:s10], $0x4000  }
0x79: {  	[sflag:s10] =	ssyncset.done $0x0  }
0x7a: {  	s14 =	simm.s32 $0x0;
	[sflag:s10] =	ssyncadd.s32 $0xFFFFC000  }
.LBB2_3:
0x7b: {  	s15 =	smul.u32 $0x3, s14  }
0x7c: {  	s16 =	smul.u32 $0x600, s14  }
0x7d: {  	s17 =	smul.u32 $0x180, s14  }
0x7e: {  	s26 =	sshll.u32 s14, $0x9  }
0x7f: {  	s18 =	sadd.s32 $0x1, s15;
	s16 =	sand.u32 $0xF000, s16;
	s17 =	sand.u32 $0x380, s17  }
0x80: {  	s15 =	sadd.s32 $0x2, s15;
	s19 =	sshll.u32 s18, $0x9;
	s16 =	sor.u32 s17, s16  }
0x81: {  	s18 =	sshll.u32 s18, $0x7;
	s23 =	sshll.u32 s15, $0x9;
	s15 =	sshll.u32 s15, $0x7  }
0x82: {  	s22 =	sand.u32 $0x1F000, s19;
	s18 =	sand.u32 $0x380, s18;
	s19 =	sand.u32 $0x1F000, s23  }
0x83: {  	s20 =	sand.u32 $0x380, s15;
	s15 =	sadd.s32 $0x80, s16;
	s24 =	sor.u32 s18, s22  }
0x84: {  	s25 =	sor.u32 s20, s19;
	s19 =	sand.u32 $0xC00, s13;
	s20 =	sand.u32 $0x70, s13  }
0x85: {  	s22 =	sshll.u32 s14, $0x7;
	s16 =	sadd.s32 $0x80, s24;
	s21 =	sadd.s32 s19, s15  }
0x86: {  	s18 =	sand.u32 $0x3000, s26;
	s21 =	sadd.s32 s20, s21;
	s23 =	sadd.s32 s19, s16  }
0x87: {  	s17 =	sadd.s32 $0x80, s25;
	s22 =	sand.u32 $0x380, s22;
	v4 =	vld [tilespmem:s21+$0x0];
	s23 =	sadd.s32 s20, s23  }
0x88: {  	s18 =	sor.u32 s22, s18;
	s24 =	sadd.s32 s19, s17;
	v5 =	vld [tilespmem:s23+$0x0]  }
0x89: {  	s25 =	simm.s32 $0x80;
	s18 =	sadd.s32 $0xC080, s18;
	s21 =	sadd.s32 s20, s24  }
0x8a: {  	s26 =	simm.s32 $0x10;
	s22 =	sand.u32 $0xC00, s25;
	v6 =	vld [tilespmem:s21+$0x0];
	s19 =	sadd.s32 s19, s18  }
0x8b: {  	s24 =	sadd.s32 s22, s15;
	s21 =	sand.u32 $0x70, s26;
	s19 =	sadd.s32 s20, s19  }
0x8c: {  	s26 =	sadd.s32 s22, s16;
	s25 =	sadd.s32 s21, s24;
	v8 =	vld [tilespmem:s19+$0x0]  }
0x8d: {  	s23 =	sadd.s32 s21, s26;
	v9 =	vld [tilespmem:s25+$0x0];
	v4 =	vadd.f32 v5, v4  }
0x8e: {  	s24 =	simm.s32 $0x20;
	s26 =	simm.s32 $0x100;
	v10 =	vld [tilespmem:s23+$0x0];
	s25 =	sadd.s32 s22, s17  }
0x8f: {  	s19 =	sand.u32 $0xC00, s26;
	s22 =	sadd.s32 s22, s18;
	s23 =	sadd.s32 s21, s25;
	v4 =	vadd.f32 v6, v4  }
0x90: {  	s20 =	sand.u32 $0x70, s24;
	s24 =	sadd.s32 s19, s15;
	s21 =	sadd.s32 s21, s22;
	v6 =	vld [tilespmem:s23+$0x0]  }
0x91: {  	s25 =	sadd.s32 s19, s16;
	s24 =	sadd.s32 s20, s24;
	v5 =	vld [tilespmem:s21+$0x0];
	v11 =	vmul.f32 v4, v1  }
0x92: {  	s26 =	sadd.s32 s20, s25;
	v7 =	vld [tilespmem:s24+$0x0]  }
0x93: {  	s22 =	simm.s32 $0x180;
	s21 =	simm.s32 $0x30;
	v10 =	vadd.f32 v10, v9;
	s23 =	sadd.s32 s19, s17;
	v4 =	vimm.f32 $0.0e+00;
	v9 =	vsub.f32 v8, v11;
	v8 =	vld [tilespmem:s26+$0x0]  }
.LBB2_4:
0x94: {  	s24 =	sand.u32 $0xC00, s22  }
0x95: {  	s23 =	sadd.s32 s20, s23;
	v10 =	vadd.f32 v6, v10;
	v12 =	vmul.f32 v9, v9;
	s25 =	sand.u32 $0x70, s21;
	p0 =	sne.s32 s21, $0x1F0  }
.Ltmp0:
0x96: {  	s19 =	sadd.s32 s19, s18;
	s26 =	sadd.s32 s24, s15;
	v6 =	vld [tilespmem:s23+$0x0];
	(pc) =	sbr.rel @p0 .LBB2_4-.Ltmp0, $4  }
0x97: {  	s21 =	sadd.s32 $0x10, s21;
	s19 =	sadd.s32 s20, s19;
	v11 =	vmul.f32 v10, v1;
	v4 =	vadd.f32 v12, v4;
	v9 =	vmov v5  }
0x98: {  	s23 =	sadd.s32 s24, s16;
	s20 =	sadd.s32 s25, s26;
	v5 =	vld [tilespmem:s19+$0x0];
	s19 =	smov.u32 s24  }
0x99: {  	s23 =	sadd.s32 s25, s23;
	v10 =	vadd.f32 v8, v7;
	v7 =	vld [tilespmem:s20+$0x0];
	v9 =	vsub.f32 v9, v11;
	s20 =	smov.u32 s25  }
0x9a: {  	s22 =	sadd.s32 $0x80, s22;
	v8 =	vld [tilespmem:s23+$0x0];
	s23 =	sadd.s32 s19, s17  }
0x9b: {  	s15 =	sadd.s32 s20, s23  }
0x9c: {  	v11 =	vld [tilespmem:s15+$0x0];
	_ =	sdelay $0x1  }
0x9d: {  	s25 =	sadd.s32 s19, s18  }
0x9e: {  	v6 =	vadd.f32 v6, v10;
	s15 =	sadd.s32 s20, s25;
	v7 =	vadd.f32 v8, v7  }
0x9f: {  	v62 =	vld [tilespmem:s15+$0x0]  }
0xa0: {  	v6 =	vmul.f32 v6, v1;
	v7 =	vadd.f32 v11, v7;
	_ =	sdelay $0x1  }
0xa1: {  	v9 =	vmul.f32 v9, v9;
	v5 =	vsub.f32 v5, v6;
	v63 =	vmul.f32 v7, v1;
	_ =	sdelay $0x1  }
0xa2: {  	v4 =	vadd.f32 v9, v4;
	v5 =	vmul.f32 v5, v5;
	v6 =	vsub.f32 v62, v63;
	_ =	sdelay $0x1  }
0xa3: {  	v4 =	vadd.f32 v5, v4;
	v5 =	vmul.f32 v6, v6;
	_ =	sdelay $0x1  }
0xa4: {  	v4 =	vadd.f32 v5, v4;
	_ =	sdelay $0x1  }
0xa5: {  	(xrf2) =	vadd.scan.msk.f32 $0xffff, v4;
	_ =	sdelay $0x6  }
0xa6: {  	s26 =	sadd.s32 s12, s14;
	s14 =	sadd.s32 $0x1, s14  }
0xa7: {  	p0 =	sne.s32 s14, $0x20  }
.Ltmp1:
0xa8: {  	_ = 	snop;
	(pc) =	sbr.rel @p0 .LBB2_3-.Ltmp1, $4  }
0xa9: {  	v4, _, _ =	vpop (xrf2)  }
0xaa: {  	s15 =	sshll.u32 s26, $0x7;
	v4 =	vbroadcast v4, $0xF  }
0xab: {  	s15 =	sand.u32 $0x3FFFFF80, s15  }
0xac: {  	[tilespmem:s15+$0x10080] =	vst v4  }
0xad: {  	s11 =	sadd.s32 $0x1, s11  }
0xae: {  	p0 =	sne.s32 s11, $0x4  }
.Ltmp2:
0xaf: {  	_ = 	snop;
	(pc) =	sbr.rel @p0 .LBB2_2-.Ltmp2, $1  }
0xb0: {  	_ =	sdelay $0x3  }
0xb1: {  	s11 =	simm.s32 $0x0;
	s12 =	rddreg [dreg:$0x4];
	s13 =	simm.s32 $0x10080  }
0xb2: {  	[hbm4b:s12+s11] =	stream.linear.scatter [tilespmem:s13], [sflag:$0x2], $0x4000, $0x38;
	[tilespmem:$0x14080] =	vst v63  }
0xb3: {  	_ =	swait.ge [sflag:s10], $0x4000  }
0xb4: {  	s25 =	rddreg [dreg:$0x6]  }
0xb5: {  	s26 =	rddreg [dreg:$0x5];
	s12 =	sadd.s32 $0x1, s25  }
0xb6: {  	p0 =	sne.s32 s12, s26  }
.Ltmp3:
0xb7: {  	_ = 	snop;
	(pc) =	sbr.rel @p0 .LBB2_1-.Ltmp3, $3  }
0xb8: {  	_ =	sdelay $0x1  }
0xb9: {  	[sflag:s10] =	ssyncset.done $0x0  }
0xba: {  	[sflag:s10] =	ssyncadd.s32 $0xFFFFC000  }
0xbb: {  	_ =	sfence.sel $0x180000  }
0xbc: {  	[bflag:$0x0] =	sbarrier.arrive $0xFFFF  }
0xbd: {  	_ =	strace $0x90000047  }
0xbe: {  	s0 =	stileid.u32;
	[bflag:$0x2] =	sbarrier.arrive $0xFFFF  }
0xbf: {  	p0 =	sne.s32 s0, $0x0;
	s0 =	rddreg [dreg:$0x3]  }
0xc0: {  	s0 =	sadd.s32 @!p0 $0x100000, s0  }
0xc1: {  	[sflag:s0] =	ssyncadd.tile.s32 @!p0 $0x1;
	_ =	shalt  }
.Lfunc_end2:
_tile_overlayer_lowered:
.L_overlay_start_2:
0xc2: {  	(tag) =	ssettag $0x2  }
0xc3: {  	s0 =	rddreg [dreg:$0x0];
	s2 =	stileid.u32  }
0xc4: {  	s1 =	rddreg [dreg:$0x1];
	p0 =	sne.s32 s2, $0x0  }
0xc5: {  	s3 =	rddreg [dreg:$0x2];
	[bflag:$0x3] =	sbarrier.arrive $0xFFFF;
	s2 =	simm.s32 @!p0 $0x1C02  }
0xc6: {  	[timem:s3], [sflag:s2] =	dma.local @!p0 [hbm:s0], s1  }
0xc7: {  	s0 =	simm.s32 @!p0 $0x2  }
0xc8: {  	_ =	swait.ge @!p0 [sflag:s0], s1  }
0xc9: {  	s1 =	ssub.s32 @!p0 $0x0, s1;
	[sflag:s0] =	ssyncset.done @!p0 $0x0  }
0xca: {  	[sflag:s0] =	ssyncadd.s32 @!p0 s1  }
0xcb: {  	[bflag:$0x3] =	sbarrier.arrive $0xFFFF  }
0xcc: {  	_ =	shalt  }

</sc_bundles>
